<compile_context>
chip_gen: v7x
topology: tpu7x:2x2x1
jax: 0.10.2.dev20260603
libtpu: 0.0.44.dev20260713+nightly
codegen_flags: <defaults>
</compile_context>

<pallas_src>
import functools

import jax
import jax.numpy as jnp
from jax import lax
from jax.experimental import pallas as pl
from jax.experimental.pallas import tpu as pltpu
from jax.experimental.pallas import tpu_sc as plsc

VOCAB = 1682
EMBED_DIM = 32
BATCH = 16384

_info = plsc.get_sparse_core_info()
_NC, _NS, _L = 1, _info.num_subcores, _info.num_lanes
_NW = _NC * _NS
_B_PER_W = BATCH // _NW
_GCHUNK = 128
_NG = _B_PER_W // _GCHUNK


def _make_sc_gather():
    mesh = plsc.VectorSubcoreMesh(
        core_axis_name="c", subcore_axis_name="s", num_cores=_NC
    )

    @functools.partial(
        pl.kernel,
        mesh=mesh,
        out_type=jax.ShapeDtypeStruct((BATCH, EMBED_DIM), jnp.float32),
        scratch_types=[
            pltpu.VMEM((_NG, _GCHUNK), jnp.int32),
            pltpu.VMEM((_B_PER_W, EMBED_DIM), jnp.float32),
            [pltpu.SemaphoreType.DMA] * _NG,
            pltpu.SemaphoreType.DMA,
        ],
        compiler_params=pltpu.CompilerParams(
            use_tc_tiling_on_sc=False,
            disable_bounds_checks=True,
            disable_semaphore_checks=True,
            skip_device_barrier=True,
        ),
    )
    def sc_gather(ids_hbm, table_hbm, out_hbm, idx_v, rows_v, gsem, osem):
        wid = lax.axis_index("s") * _NC + lax.axis_index("c")
        base = wid * _B_PER_W

        pltpu.sync_copy(ids_hbm.at[wid], idx_v)

        shifted = table_hbm.at[pl.ds(1, VOCAB)]

        gathers = [
            pltpu.async_copy(
                shifted.at[idx_v.at[j]],
                rows_v.at[pl.ds(j * _GCHUNK, _GCHUNK)],
                gsem[j],
            )
            for j in range(_NG)
        ]
        writes = []
        for j in range(_NG):
            gathers[j].wait()
            writes.append(
                pltpu.async_copy(
                    rows_v.at[pl.ds(j * _GCHUNK, _GCHUNK)],
                    out_hbm.at[pl.ds(base + j * _GCHUNK, _GCHUNK)],
                    osem,
                )
            )
        for c in writes:
            c.wait()

    return sc_gather


_sc_gather = _make_sc_gather()


def kernel(movie_id, table):
    ids = movie_id.reshape(_NW, _NG, _GCHUNK)
    return _sc_gather(ids, table)

# --- scband reference (transcript-rebuilt; emitter-appended) ---
"""Pipeline reference for scband-movie-model-56616258896194 (READ-ONLY COPY).

The authoritative reference and input builder live on the scoring server;
editing this copy changes nothing except your own understanding.
"""

import jax, jax.numpy as jnp
import numpy as np

VOCAB = 1682
EMBED_DIM = 32

def setup_inputs(seed: int = 0) -> dict:
    key = jax.random.key(seed)
    k1, k2 = jax.random.split(key)
    movie_id = jax.random.randint(k1, (16384,), 0, VOCAB, dtype=jnp.int64 if jax.config.jax_enable_x64 else jnp.int32).astype(jnp.int32)
    # Embedding table: (vocab + 1 OOV row, embed_dim), matching tf.keras.layers.Embedding(1683, 32)
    table = jax.random.normal(k2, (VOCAB + 1, EMBED_DIM), dtype=jnp.float32) * 0.05
    return {"movie_id": movie_id, "table": table}

def reference(movie_id, table):
    # StringLookup(vocabulary=["0".."1681"], mask_token=None, num_oov_indices=1):
    # known id i maps to index i+1; index 0 reserved for OOV.
    idx = movie_id + 1
    emb = jnp.take(table, idx, axis=0)
    # tf.concat([emb], axis=1) is identity for a single tensor
    return emb

if __name__ == "__main__":
    import jax
    _d = setup_inputs()
    print(jax.jit(kernel)(*tuple(_d.values())))

</pallas_src>

<mosaic_0001>
#map = affine_map<(d0, d1) -> (0, 0, 0)>
#map1 = affine_map<(d0, d1) -> (0, 0)>
module attributes {stable_mosaic.version = 14 : i64} {
  func.func @sc_gather(%arg0: i32, %arg1: i32, %arg2: memref<16x8x128xi32, #tpu.memory_space<hbm>>, %arg3: memref<1683x32xf32, #tpu.memory_space<hbm>>, %arg4: memref<16384x32xf32, #tpu.memory_space<hbm>>, %arg5: memref<8x128xi32, #tpu.memory_space<vmem>>, %arg6: memref<1024x32xf32, #tpu.memory_space<vmem>>, %arg7: memref<!tpu.dma_semaphore, #tpu.memory_space<semaphore_mem>>, %arg8: memref<!tpu.dma_semaphore, #tpu.memory_space<semaphore_mem>>, %arg9: memref<!tpu.dma_semaphore, #tpu.memory_space<semaphore_mem>>, %arg10: memref<!tpu.dma_semaphore, #tpu.memory_space<semaphore_mem>>, %arg11: memref<!tpu.dma_semaphore, #tpu.memory_space<semaphore_mem>>, %arg12: memref<!tpu.dma_semaphore, #tpu.memory_space<semaphore_mem>>, %arg13: memref<!tpu.dma_semaphore, #tpu.memory_space<semaphore_mem>>, %arg14: memref<!tpu.dma_semaphore, #tpu.memory_space<semaphore_mem>>, %arg15: memref<!tpu.dma_semaphore, #tpu.memory_space<semaphore_mem>>) attributes {dimension_semantics = [#tpu.dimension_semantics<core_parallel>, #tpu.dimension_semantics<subcore_parallel>], iteration_bounds = array<i64: 1, 16>, scalar_prefetch = 0 : i64, scratch_operands = 11 : i64, tpu.core_type = #tpu.core_type<sc_vector_subcore>, window_params = [{transform_indices = #map}, {transform_indices = #map1}, {transform_indices = #map1}]} {
    %mul3A = arith.constant 1 : i32
    %mul3A_0 = arith.muli %arg1, %mul3A : i32
    %add3A = arith.addi %mul3A_0, %arg0 : i32
    %mul3A_1 = arith.constant 1024 : i32
    %mul3A_2 = arith.muli %add3A, %mul3A_1 : i32
    "tpu.region"() ({
      %run_scoped3A = tpu.sem_alloc : memref<!tpu.dma_semaphore, #tpu.memory_space<semaphore_mem>>
      %dma_start3A_385 = arith.constant 0 : i32
      %dma_start3A_386 = arith.constant 0 : i32
      %dma_start3A_387 = tpu.memref_slice %arg2[%add3A, %dma_start3A_385, %dma_start3A_386] : memref<16x8x128xi32, #tpu.memory_space<hbm>> -> memref<1x8x128xi32, #tpu.memory_space<hbm>>
      %dma_start3A_388 = tpu.memref_squeeze %dma_start3A_387 : memref<1x8x128xi32, #tpu.memory_space<hbm>> -> memref<8x128xi32, #tpu.memory_space<hbm>>
      %dma_start3A_389 = arith.constant 0 : i32
      %dma_start3A_390 = arith.constant 0 : i32
      %dma_start3A_391 = tpu.memref_slice %arg2[%add3A, %dma_start3A_389, %dma_start3A_390] : memref<16x8x128xi32, #tpu.memory_space<hbm>> -> memref<1x8x128xi32, #tpu.memory_space<hbm>>
      %dma_start3A_392 = tpu.memref_squeeze %dma_start3A_391 : memref<1x8x128xi32, #tpu.memory_space<hbm>> -> memref<8x128xi32, #tpu.memory_space<hbm>>
      tpu.enqueue_dma source(%dma_start3A_392 : memref<8x128xi32, #tpu.memory_space<hbm>>) target(%arg5 : memref<8x128xi32, #tpu.memory_space<vmem>>) target_semaphore(%run_scoped3A : memref<!tpu.dma_semaphore, #tpu.memory_space<semaphore_mem>>)
      %dma_wait3A_393 = arith.constant 0 : i32
      %dma_wait3A_394 = arith.constant 0 : i32
      %dma_wait3A_395 = tpu.memref_slice %arg2[%add3A, %dma_wait3A_393, %dma_wait3A_394] : memref<16x8x128xi32, #tpu.memory_space<hbm>> -> memref<1x8x128xi32, #tpu.memory_space<hbm>>
      %dma_wait3A_396 = tpu.memref_squeeze %dma_wait3A_395 : memref<1x8x128xi32, #tpu.memory_space<hbm>> -> memref<8x128xi32, #tpu.memory_space<hbm>>
      %dma_wait3A_397 = arith.constant 0 : i32
      %dma_wait3A_398 = arith.constant 0 : i32
      %dma_wait3A_399 = tpu.memref_slice %arg2[%add3A, %dma_wait3A_397, %dma_wait3A_398] : memref<16x8x128xi32, #tpu.memory_space<hbm>> -> memref<1x8x128xi32, #tpu.memory_space<hbm>>
      %dma_wait3A_400 = tpu.memref_squeeze %dma_wait3A_399 : memref<1x8x128xi32, #tpu.memory_space<hbm>> -> memref<8x128xi32, #tpu.memory_space<hbm>>
      tpu.wait_dma2 semaphore(%run_scoped3A : memref<!tpu.dma_semaphore, #tpu.memory_space<semaphore_mem>>) src(%dma_wait3A_400 : memref<8x128xi32, #tpu.memory_space<hbm>>) dst(%arg5 : memref<8x128xi32, #tpu.memory_space<vmem>>)
      tpu.yield
    }) : () -> ()
    %dma_start3A = arith.constant 0 : i32
    %dma_start3A_3 = arith.constant 0 : i32
    %dma_start3A_4 = arith.constant 0 : i32
    %dma_start3A_5 = tpu.memref_slice %arg6[%dma_start3A_3, %dma_start3A_4] : memref<1024x32xf32, #tpu.memory_space<vmem>> -> memref<128x32xf32, #tpu.memory_space<vmem>>
    %dma_start3A_6 = arith.constant 0 : i32
    %dma_start3A_7 = tpu.memref_slice %arg5[%dma_start3A, %dma_start3A_6] : memref<8x128xi32, #tpu.memory_space<vmem>> -> memref<1x128xi32, #tpu.memory_space<vmem>>
    %dma_start3A_8 = tpu.memref_squeeze %dma_start3A_7 : memref<1x128xi32, #tpu.memory_space<vmem>> -> memref<128xi32, #tpu.memory_space<vmem>>
    %dma_start3A_9 = arith.constant 1 : i32
    %dma_start3A_10 = arith.constant 0 : i32
    %dma_start3A_11 = tpu.memref_slice %arg3[%dma_start3A_9, %dma_start3A_10] : memref<1683x32xf32, #tpu.memory_space<hbm>> -> memref<1682x32xf32, #tpu.memory_space<hbm>>
    %dma_start3A_12 = arith.constant 0 : i32
    %dma_start3A_13 = arith.constant 0 : i32
    %dma_start3A_14 = tpu.memref_slice %dma_start3A_11[%dma_start3A_12, %dma_start3A_13] : memref<1682x32xf32, #tpu.memory_space<hbm>> -> memref<1682x32xf32, #tpu.memory_space<hbm>>
    tpu.enqueue_indirect_dma source(%dma_start3A_14 : memref<1682x32xf32, #tpu.memory_space<hbm>>) target(%dma_start3A_5 : memref<128x32xf32, #tpu.memory_space<vmem>>) offsets(%dma_start3A_8 : memref<128xi32, #tpu.memory_space<vmem>>) semaphore(%arg7 : memref<!tpu.dma_semaphore, #tpu.memory_space<semaphore_mem>>)
    %dma_start3A_15 = arith.constant 1 : i32
    %dma_start3A_16 = arith.constant 128 : i32
    %dma_start3A_17 = arith.constant 0 : i32
    %dma_start3A_18 = tpu.memref_slice %arg6[%dma_start3A_16, %dma_start3A_17] : memref<1024x32xf32, #tpu.memory_space<vmem>> -> memref<128x32xf32, #tpu.memory_space<vmem>>
    %dma_start3A_19 = arith.constant 0 : i32
    %dma_start3A_20 = tpu.memref_slice %arg5[%dma_start3A_15, %dma_start3A_19] : memref<8x128xi32, #tpu.memory_space<vmem>> -> memref<1x128xi32, #tpu.memory_space<vmem>>
    %dma_start3A_21 = tpu.memref_squeeze %dma_start3A_20 : memref<1x128xi32, #tpu.memory_space<vmem>> -> memref<128xi32, #tpu.memory_space<vmem>>
    %dma_start3A_22 = arith.constant 1 : i32
    %dma_start3A_23 = arith.constant 0 : i32
    %dma_start3A_24 = tpu.memref_slice %arg3[%dma_start3A_22, %dma_start3A_23] : memref<1683x32xf32, #tpu.memory_space<hbm>> -> memref<1682x32xf32, #tpu.memory_space<hbm>>
    %dma_start3A_25 = arith.constant 0 : i32
    %dma_start3A_26 = arith.constant 0 : i32
    %dma_start3A_27 = tpu.memref_slice %dma_start3A_24[%dma_start3A_25, %dma_start3A_26] : memref<1682x32xf32, #tpu.memory_space<hbm>> -> memref<1682x32xf32, #tpu.memory_space<hbm>>
    tpu.enqueue_indirect_dma source(%dma_start3A_27 : memref<1682x32xf32, #tpu.memory_space<hbm>>) target(%dma_start3A_18 : memref<128x32xf32, #tpu.memory_space<vmem>>) offsets(%dma_start3A_21 : memref<128xi32, #tpu.memory_space<vmem>>) semaphore(%arg8 : memref<!tpu.dma_semaphore, #tpu.memory_space<semaphore_mem>>)
    %dma_start3A_28 = arith.constant 2 : i32
    %dma_start3A_29 = arith.constant 256 : i32
    %dma_start3A_30 = arith.constant 0 : i32
    %dma_start3A_31 = tpu.memref_slice %arg6[%dma_start3A_29, %dma_start3A_30] : memref<1024x32xf32, #tpu.memory_space<vmem>> -> memref<128x32xf32, #tpu.memory_space<vmem>>
    %dma_start3A_32 = arith.constant 0 : i32
    %dma_start3A_33 = tpu.memref_slice %arg5[%dma_start3A_28, %dma_start3A_32] : memref<8x128xi32, #tpu.memory_space<vmem>> -> memref<1x128xi32, #tpu.memory_space<vmem>>
    %dma_start3A_34 = tpu.memref_squeeze %dma_start3A_33 : memref<1x128xi32, #tpu.memory_space<vmem>> -> memref<128xi32, #tpu.memory_space<vmem>>
    %dma_start3A_35 = arith.constant 1 : i32
    %dma_start3A_36 = arith.constant 0 : i32
    %dma_start3A_37 = tpu.memref_slice %arg3[%dma_start3A_35, %dma_start3A_36] : memref<1683x32xf32, #tpu.memory_space<hbm>> -> memref<1682x32xf32, #tpu.memory_space<hbm>>
    %dma_start3A_38 = arith.constant 0 : i32
    %dma_start3A_39 = arith.constant 0 : i32
    %dma_start3A_40 = tpu.memref_slice %dma_start3A_37[%dma_start3A_38, %dma_start3A_39] : memref<1682x32xf32, #tpu.memory_space<hbm>> -> memref<1682x32xf32, #tpu.memory_space<hbm>>
    tpu.enqueue_indirect_dma source(%dma_start3A_40 : memref<1682x32xf32, #tpu.memory_space<hbm>>) target(%dma_start3A_31 : memref<128x32xf32, #tpu.memory_space<vmem>>) offsets(%dma_start3A_34 : memref<128xi32, #tpu.memory_space<vmem>>) semaphore(%arg9 : memref<!tpu.dma_semaphore, #tpu.memory_space<semaphore_mem>>)
    %dma_start3A_41 = arith.constant 3 : i32
    %dma_start3A_42 = arith.constant 384 : i32
    %dma_start3A_43 = arith.constant 0 : i32
    %dma_start3A_44 = tpu.memref_slice %arg6[%dma_start3A_42, %dma_start3A_43] : memref<1024x32xf32, #tpu.memory_space<vmem>> -> memref<128x32xf32, #tpu.memory_space<vmem>>
    %dma_start3A_45 = arith.constant 0 : i32
    %dma_start3A_46 = tpu.memref_slice %arg5[%dma_start3A_41, %dma_start3A_45] : memref<8x128xi32, #tpu.memory_space<vmem>> -> memref<1x128xi32, #tpu.memory_space<vmem>>
    %dma_start3A_47 = tpu.memref_squeeze %dma_start3A_46 : memref<1x128xi32, #tpu.memory_space<vmem>> -> memref<128xi32, #tpu.memory_space<vmem>>
    %dma_start3A_48 = arith.constant 1 : i32
    %dma_start3A_49 = arith.constant 0 : i32
    %dma_start3A_50 = tpu.memref_slice %arg3[%dma_start3A_48, %dma_start3A_49] : memref<1683x32xf32, #tpu.memory_space<hbm>> -> memref<1682x32xf32, #tpu.memory_space<hbm>>
    %dma_start3A_51 = arith.constant 0 : i32
    %dma_start3A_52 = arith.constant 0 : i32
    %dma_start3A_53 = tpu.memref_slice %dma_start3A_50[%dma_start3A_51, %dma_start3A_52] : memref<1682x32xf32, #tpu.memory_space<hbm>> -> memref<1682x32xf32, #tpu.memory_space<hbm>>
    tpu.enqueue_indirect_dma source(%dma_start3A_53 : memref<1682x32xf32, #tpu.memory_space<hbm>>) target(%dma_start3A_44 : memref<128x32xf32, #tpu.memory_space<vmem>>) offsets(%dma_start3A_47 : memref<128xi32, #tpu.memory_space<vmem>>) semaphore(%arg10 : memref<!tpu.dma_semaphore, #tpu.memory_space<semaphore_mem>>)
    %dma_start3A_54 = arith.constant 4 : i32
    %dma_start3A_55 = arith.constant 512 : i32
    %dma_start3A_56 = arith.constant 0 : i32
    %dma_start3A_57 = tpu.memref_slice %arg6[%dma_start3A_55, %dma_start3A_56] : memref<1024x32xf32, #tpu.memory_space<vmem>> -> memref<128x32xf32, #tpu.memory_space<vmem>>
    %dma_start3A_58 = arith.constant 0 : i32
    %dma_start3A_59 = tpu.memref_slice %arg5[%dma_start3A_54, %dma_start3A_58] : memref<8x128xi32, #tpu.memory_space<vmem>> -> memref<1x128xi32, #tpu.memory_space<vmem>>
    %dma_start3A_60 = tpu.memref_squeeze %dma_start3A_59 : memref<1x128xi32, #tpu.memory_space<vmem>> -> memref<128xi32, #tpu.memory_space<vmem>>
    %dma_start3A_61 = arith.constant 1 : i32
    %dma_start3A_62 = arith.constant 0 : i32
    %dma_start3A_63 = tpu.memref_slice %arg3[%dma_start3A_61, %dma_start3A_62] : memref<1683x32xf32, #tpu.memory_space<hbm>> -> memref<1682x32xf32, #tpu.memory_space<hbm>>
    %dma_start3A_64 = arith.constant 0 : i32
    %dma_start3A_65 = arith.constant 0 : i32
    %dma_start3A_66 = tpu.memref_slice %dma_start3A_63[%dma_start3A_64, %dma_start3A_65] : memref<1682x32xf32, #tpu.memory_space<hbm>> -> memref<1682x32xf32, #tpu.memory_space<hbm>>
    tpu.enqueue_indirect_dma source(%dma_start3A_66 : memref<1682x32xf32, #tpu.memory_space<hbm>>) target(%dma_start3A_57 : memref<128x32xf32, #tpu.memory_space<vmem>>) offsets(%dma_start3A_60 : memref<128xi32, #tpu.memory_space<vmem>>) semaphore(%arg11 : memref<!tpu.dma_semaphore, #tpu.memory_space<semaphore_mem>>)
    %dma_start3A_67 = arith.constant 5 : i32
    %dma_start3A_68 = arith.constant 640 : i32
    %dma_start3A_69 = arith.constant 0 : i32
    %dma_start3A_70 = tpu.memref_slice %arg6[%dma_start3A_68, %dma_start3A_69] : memref<1024x32xf32, #tpu.memory_space<vmem>> -> memref<128x32xf32, #tpu.memory_space<vmem>>
    %dma_start3A_71 = arith.constant 0 : i32
    %dma_start3A_72 = tpu.memref_slice %arg5[%dma_start3A_67, %dma_start3A_71] : memref<8x128xi32, #tpu.memory_space<vmem>> -> memref<1x128xi32, #tpu.memory_space<vmem>>
    %dma_start3A_73 = tpu.memref_squeeze %dma_start3A_72 : memref<1x128xi32, #tpu.memory_space<vmem>> -> memref<128xi32, #tpu.memory_space<vmem>>
    %dma_start3A_74 = arith.constant 1 : i32
    %dma_start3A_75 = arith.constant 0 : i32
    %dma_start3A_76 = tpu.memref_slice %arg3[%dma_start3A_74, %dma_start3A_75] : memref<1683x32xf32, #tpu.memory_space<hbm>> -> memref<1682x32xf32, #tpu.memory_space<hbm>>
    %dma_start3A_77 = arith.constant 0 : i32
    %dma_start3A_78 = arith.constant 0 : i32
    %dma_start3A_79 = tpu.memref_slice %dma_start3A_76[%dma_start3A_77, %dma_start3A_78] : memref<1682x32xf32, #tpu.memory_space<hbm>> -> memref<1682x32xf32, #tpu.memory_space<hbm>>
    tpu.enqueue_indirect_dma source(%dma_start3A_79 : memref<1682x32xf32, #tpu.memory_space<hbm>>) target(%dma_start3A_70 : memref<128x32xf32, #tpu.memory_space<vmem>>) offsets(%dma_start3A_73 : memref<128xi32, #tpu.memory_space<vmem>>) semaphore(%arg12 : memref<!tpu.dma_semaphore, #tpu.memory_space<semaphore_mem>>)
    %dma_start3A_80 = arith.constant 6 : i32
    %dma_start3A_81 = arith.constant 768 : i32
    %dma_start3A_82 = arith.constant 0 : i32
    %dma_start3A_83 = tpu.memref_slice %arg6[%dma_start3A_81, %dma_start3A_82] : memref<1024x32xf32, #tpu.memory_space<vmem>> -> memref<128x32xf32, #tpu.memory_space<vmem>>
    %dma_start3A_84 = arith.constant 0 : i32
    %dma_start3A_85 = tpu.memref_slice %arg5[%dma_start3A_80, %dma_start3A_84] : memref<8x128xi32, #tpu.memory_space<vmem>> -> memref<1x128xi32, #tpu.memory_space<vmem>>
    %dma_start3A_86 = tpu.memref_squeeze %dma_start3A_85 : memref<1x128xi32, #tpu.memory_space<vmem>> -> memref<128xi32, #tpu.memory_space<vmem>>
    %dma_start3A_87 = arith.constant 1 : i32
    %dma_start3A_88 = arith.constant 0 : i32
    %dma_start3A_89 = tpu.memref_slice %arg3[%dma_start3A_87, %dma_start3A_88] : memref<1683x32xf32, #tpu.memory_space<hbm>> -> memref<1682x32xf32, #tpu.memory_space<hbm>>
    %dma_start3A_90 = arith.constant 0 : i32
    %dma_start3A_91 = arith.constant 0 : i32
    %dma_start3A_92 = tpu.memref_slice %dma_start3A_89[%dma_start3A_90, %dma_start3A_91] : memref<1682x32xf32, #tpu.memory_space<hbm>> -> memref<1682x32xf32, #tpu.memory_space<hbm>>
    tpu.enqueue_indirect_dma source(%dma_start3A_92 : memref<1682x32xf32, #tpu.memory_space<hbm>>) target(%dma_start3A_83 : memref<128x32xf32, #tpu.memory_space<vmem>>) offsets(%dma_start3A_86 : memref<128xi32, #tpu.memory_space<vmem>>) semaphore(%arg13 : memref<!tpu.dma_semaphore, #tpu.memory_space<semaphore_mem>>)
    %dma_start3A_93 = arith.constant 7 : i32
    %dma_start3A_94 = arith.constant 896 : i32
    %dma_start3A_95 = arith.constant 0 : i32
    %dma_start3A_96 = tpu.memref_slice %arg6[%dma_start3A_94, %dma_start3A_95] : memref<1024x32xf32, #tpu.memory_space<vmem>> -> memref<128x32xf32, #tpu.memory_space<vmem>>
    %dma_start3A_97 = arith.constant 0 : i32
    %dma_start3A_98 = tpu.memref_slice %arg5[%dma_start3A_93, %dma_start3A_97] : memref<8x128xi32, #tpu.memory_space<vmem>> -> memref<1x128xi32, #tpu.memory_space<vmem>>
    %dma_start3A_99 = tpu.memref_squeeze %dma_start3A_98 : memref<1x128xi32, #tpu.memory_space<vmem>> -> memref<128xi32, #tpu.memory_space<vmem>>
    %dma_start3A_100 = arith.constant 1 : i32
    %dma_start3A_101 = arith.constant 0 : i32
    %dma_start3A_102 = tpu.memref_slice %arg3[%dma_start3A_100, %dma_start3A_101] : memref<1683x32xf32, #tpu.memory_space<hbm>> -> memref<1682x32xf32, #tpu.memory_space<hbm>>
    %dma_start3A_103 = arith.constant 0 : i32
    %dma_start3A_104 = arith.constant 0 : i32
    %dma_start3A_105 = tpu.memref_slice %dma_start3A_102[%dma_start3A_103, %dma_start3A_104] : memref<1682x32xf32, #tpu.memory_space<hbm>> -> memref<1682x32xf32, #tpu.memory_space<hbm>>
    tpu.enqueue_indirect_dma source(%dma_start3A_105 : memref<1682x32xf32, #tpu.memory_space<hbm>>) target(%dma_start3A_96 : memref<128x32xf32, #tpu.memory_space<vmem>>) offsets(%dma_start3A_99 : memref<128xi32, #tpu.memory_space<vmem>>) semaphore(%arg14 : memref<!tpu.dma_semaphore, #tpu.memory_space<semaphore_mem>>)
    %dma_wait3A = arith.constant 0 : i32
    %dma_wait3A_106 = arith.constant 0 : i32
    %dma_wait3A_107 = arith.constant 0 : i32
    %dma_wait3A_108 = tpu.memref_slice %arg6[%dma_wait3A_106, %dma_wait3A_107] : memref<1024x32xf32, #tpu.memory_space<vmem>> -> memref<128x32xf32, #tpu.memory_space<vmem>>
    %dma_wait3A_109 = arith.constant 0 : i32
    %dma_wait3A_110 = tpu.memref_slice %arg5[%dma_wait3A, %dma_wait3A_109] : memref<8x128xi32, #tpu.memory_space<vmem>> -> memref<1x128xi32, #tpu.memory_space<vmem>>
    %dma_wait3A_111 = tpu.memref_squeeze %dma_wait3A_110 : memref<1x128xi32, #tpu.memory_space<vmem>> -> memref<128xi32, #tpu.memory_space<vmem>>
    %dma_wait3A_112 = arith.constant 1 : i32
    %dma_wait3A_113 = arith.constant 0 : i32
    %dma_wait3A_114 = tpu.memref_slice %arg3[%dma_wait3A_112, %dma_wait3A_113] : memref<1683x32xf32, #tpu.memory_space<hbm>> -> memref<1682x32xf32, #tpu.memory_space<hbm>>
    %dma_wait3A_115 = arith.constant 0 : i32
    %dma_wait3A_116 = arith.constant 0 : i32
    %dma_wait3A_117 = tpu.memref_slice %dma_wait3A_114[%dma_wait3A_115, %dma_wait3A_116] : memref<1682x32xf32, #tpu.memory_space<hbm>> -> memref<1682x32xf32, #tpu.memory_space<hbm>>
    tpu.wait_indirect_dma semaphore(%arg7 : memref<!tpu.dma_semaphore, #tpu.memory_space<semaphore_mem>>) src(%dma_wait3A_117 : memref<1682x32xf32, #tpu.memory_space<hbm>>) dst(%dma_wait3A_108 : memref<128x32xf32, #tpu.memory_space<vmem>>)
    %add3A_118 = arith.constant 0 : i32
    %add3A_119 = arith.addi %mul3A_2, %add3A_118 : i32
    %dma_start3A_120 = arith.constant 0 : i32
    %dma_start3A_121 = arith.constant 0 : i32
    %dma_start3A_122 = tpu.memref_slice %arg6[%dma_start3A_120, %dma_start3A_121] : memref<1024x32xf32, #tpu.memory_space<vmem>> -> memref<128x32xf32, #tpu.memory_space<vmem>>
    %dma_start3A_123 = arith.constant 0 : i32
    %dma_start3A_124 = tpu.memref_slice %arg4[%add3A_119, %dma_start3A_123] : memref<16384x32xf32, #tpu.memory_space<hbm>> -> memref<128x32xf32, #tpu.memory_space<hbm>>
    %dma_start3A_125 = arith.constant 0 : i32
    %dma_start3A_126 = tpu.memref_slice %arg4[%add3A_119, %dma_start3A_125] : memref<16384x32xf32, #tpu.memory_space<hbm>> -> memref<128x32xf32, #tpu.memory_space<hbm>>
    %dma_start3A_127 = arith.constant 0 : i32
    %dma_start3A_128 = arith.constant 0 : i32
    %dma_start3A_129 = tpu.memref_slice %arg6[%dma_start3A_127, %dma_start3A_128] : memref<1024x32xf32, #tpu.memory_space<vmem>> -> memref<128x32xf32, #tpu.memory_space<vmem>>
    tpu.enqueue_dma source(%dma_start3A_129 : memref<128x32xf32, #tpu.memory_space<vmem>>) target(%dma_start3A_126 : memref<128x32xf32, #tpu.memory_space<hbm>>) target_semaphore(%arg15 : memref<!tpu.dma_semaphore, #tpu.memory_space<semaphore_mem>>)
    %dma_wait3A_130 = arith.constant 1 : i32
    %dma_wait3A_131 = arith.constant 128 : i32
    %dma_wait3A_132 = arith.constant 0 : i32
    %dma_wait3A_133 = tpu.memref_slice %arg6[%dma_wait3A_131, %dma_wait3A_132] : memref<1024x32xf32, #tpu.memory_space<vmem>> -> memref<128x32xf32, #tpu.memory_space<vmem>>
    %dma_wait3A_134 = arith.constant 0 : i32
    %dma_wait3A_135 = tpu.memref_slice %arg5[%dma_wait3A_130, %dma_wait3A_134] : memref<8x128xi32, #tpu.memory_space<vmem>> -> memref<1x128xi32, #tpu.memory_space<vmem>>
    %dma_wait3A_136 = tpu.memref_squeeze %dma_wait3A_135 : memref<1x128xi32, #tpu.memory_space<vmem>> -> memref<128xi32, #tpu.memory_space<vmem>>
    %dma_wait3A_137 = arith.constant 1 : i32
    %dma_wait3A_138 = arith.constant 0 : i32
    %dma_wait3A_139 = tpu.memref_slice %arg3[%dma_wait3A_137, %dma_wait3A_138] : memref<1683x32xf32, #tpu.memory_space<hbm>> -> memref<1682x32xf32, #tpu.memory_space<hbm>>
    %dma_wait3A_140 = arith.constant 0 : i32
    %dma_wait3A_141 = arith.constant 0 : i32
    %dma_wait3A_142 = tpu.memref_slice %dma_wait3A_139[%dma_wait3A_140, %dma_wait3A_141] : memref<1682x32xf32, #tpu.memory_space<hbm>> -> memref<1682x32xf32, #tpu.memory_space<hbm>>
    tpu.wait_indirect_dma semaphore(%arg8 : memref<!tpu.dma_semaphore, #tpu.memory_space<semaphore_mem>>) src(%dma_wait3A_142 : memref<1682x32xf32, #tpu.memory_space<hbm>>) dst(%dma_wait3A_133 : memref<128x32xf32, #tpu.memory_space<vmem>>)
    %add3A_143 = arith.constant 128 : i32
    %add3A_144 = arith.addi %mul3A_2, %add3A_143 : i32
    %dma_start3A_145 = arith.constant 128 : i32
    %dma_start3A_146 = arith.constant 0 : i32
    %dma_start3A_147 = tpu.memref_slice %arg6[%dma_start3A_145, %dma_start3A_146] : memref<1024x32xf32, #tpu.memory_space<vmem>> -> memref<128x32xf32, #tpu.memory_space<vmem>>
    %dma_start3A_148 = arith.constant 0 : i32
    %dma_start3A_149 = tpu.memref_slice %arg4[%add3A_144, %dma_start3A_148] : memref<16384x32xf32, #tpu.memory_space<hbm>> -> memref<128x32xf32, #tpu.memory_space<hbm>>
    %dma_start3A_150 = arith.constant 0 : i32
    %dma_start3A_151 = tpu.memref_slice %arg4[%add3A_144, %dma_start3A_150] : memref<16384x32xf32, #tpu.memory_space<hbm>> -> memref<128x32xf32, #tpu.memory_space<hbm>>
    %dma_start3A_152 = arith.constant 128 : i32
    %dma_start3A_153 = arith.constant 0 : i32
    %dma_start3A_154 = tpu.memref_slice %arg6[%dma_start3A_152, %dma_start3A_153] : memref<1024x32xf32, #tpu.memory_space<vmem>> -> memref<128x32xf32, #tpu.memory_space<vmem>>
    tpu.enqueue_dma source(%dma_start3A_154 : memref<128x32xf32, #tpu.memory_space<vmem>>) target(%dma_start3A_151 : memref<128x32xf32, #tpu.memory_space<hbm>>) target_semaphore(%arg15 : memref<!tpu.dma_semaphore, #tpu.memory_space<semaphore_mem>>)
    %dma_wait3A_155 = arith.constant 2 : i32
    %dma_wait3A_156 = arith.constant 256 : i32
    %dma_wait3A_157 = arith.constant 0 : i32
    %dma_wait3A_158 = tpu.memref_slice %arg6[%dma_wait3A_156, %dma_wait3A_157] : memref<1024x32xf32, #tpu.memory_space<vmem>> -> memref<128x32xf32, #tpu.memory_space<vmem>>
    %dma_wait3A_159 = arith.constant 0 : i32
    %dma_wait3A_160 = tpu.memref_slice %arg5[%dma_wait3A_155, %dma_wait3A_159] : memref<8x128xi32, #tpu.memory_space<vmem>> -> memref<1x128xi32, #tpu.memory_space<vmem>>
    %dma_wait3A_161 = tpu.memref_squeeze %dma_wait3A_160 : memref<1x128xi32, #tpu.memory_space<vmem>> -> memref<128xi32, #tpu.memory_space<vmem>>
    %dma_wait3A_162 = arith.constant 1 : i32
    %dma_wait3A_163 = arith.constant 0 : i32
    %dma_wait3A_164 = tpu.memref_slice %arg3[%dma_wait3A_162, %dma_wait3A_163] : memref<1683x32xf32, #tpu.memory_space<hbm>> -> memref<1682x32xf32, #tpu.memory_space<hbm>>
    %dma_wait3A_165 = arith.constant 0 : i32
    %dma_wait3A_166 = arith.constant 0 : i32
    %dma_wait3A_167 = tpu.memref_slice %dma_wait3A_164[%dma_wait3A_165, %dma_wait3A_166] : memref<1682x32xf32, #tpu.memory_space<hbm>> -> memref<1682x32xf32, #tpu.memory_space<hbm>>
    tpu.wait_indirect_dma semaphore(%arg9 : memref<!tpu.dma_semaphore, #tpu.memory_space<semaphore_mem>>) src(%dma_wait3A_167 : memref<1682x32xf32, #tpu.memory_space<hbm>>) dst(%dma_wait3A_158 : memref<128x32xf32, #tpu.memory_space<vmem>>)
    %add3A_168 = arith.constant 256 : i32
    %add3A_169 = arith.addi %mul3A_2, %add3A_168 : i32
    %dma_start3A_170 = arith.constant 256 : i32
    %dma_start3A_171 = arith.constant 0 : i32
    %dma_start3A_172 = tpu.memref_slice %arg6[%dma_start3A_170, %dma_start3A_171] : memref<1024x32xf32, #tpu.memory_space<vmem>> -> memref<128x32xf32, #tpu.memory_space<vmem>>
    %dma_start3A_173 = arith.constant 0 : i32
    %dma_start3A_174 = tpu.memref_slice %arg4[%add3A_169, %dma_start3A_173] : memref<16384x32xf32, #tpu.memory_space<hbm>> -> memref<128x32xf32, #tpu.memory_space<hbm>>
    %dma_start3A_175 = arith.constant 0 : i32
    %dma_start3A_176 = tpu.memref_slice %arg4[%add3A_169, %dma_start3A_175] : memref<16384x32xf32, #tpu.memory_space<hbm>> -> memref<128x32xf32, #tpu.memory_space<hbm>>
    %dma_start3A_177 = arith.constant 256 : i32
    %dma_start3A_178 = arith.constant 0 : i32
    %dma_start3A_179 = tpu.memref_slice %arg6[%dma_start3A_177, %dma_start3A_178] : memref<1024x32xf32, #tpu.memory_space<vmem>> -> memref<128x32xf32, #tpu.memory_space<vmem>>
    tpu.enqueue_dma source(%dma_start3A_179 : memref<128x32xf32, #tpu.memory_space<vmem>>) target(%dma_start3A_176 : memref<128x32xf32, #tpu.memory_space<hbm>>) target_semaphore(%arg15 : memref<!tpu.dma_semaphore, #tpu.memory_space<semaphore_mem>>)
    %dma_wait3A_180 = arith.constant 3 : i32
    %dma_wait3A_181 = arith.constant 384 : i32
    %dma_wait3A_182 = arith.constant 0 : i32
    %dma_wait3A_183 = tpu.memref_slice %arg6[%dma_wait3A_181, %dma_wait3A_182] : memref<1024x32xf32, #tpu.memory_space<vmem>> -> memref<128x32xf32, #tpu.memory_space<vmem>>
    %dma_wait3A_184 = arith.constant 0 : i32
    %dma_wait3A_185 = tpu.memref_slice %arg5[%dma_wait3A_180, %dma_wait3A_184] : memref<8x128xi32, #tpu.memory_space<vmem>> -> memref<1x128xi32, #tpu.memory_space<vmem>>
    %dma_wait3A_186 = tpu.memref_squeeze %dma_wait3A_185 : memref<1x128xi32, #tpu.memory_space<vmem>> -> memref<128xi32, #tpu.memory_space<vmem>>
    %dma_wait3A_187 = arith.constant 1 : i32
    %dma_wait3A_188 = arith.constant 0 : i32
    %dma_wait3A_189 = tpu.memref_slice %arg3[%dma_wait3A_187, %dma_wait3A_188] : memref<1683x32xf32, #tpu.memory_space<hbm>> -> memref<1682x32xf32, #tpu.memory_space<hbm>>
    %dma_wait3A_190 = arith.constant 0 : i32
    %dma_wait3A_191 = arith.constant 0 : i32
    %dma_wait3A_192 = tpu.memref_slice %dma_wait3A_189[%dma_wait3A_190, %dma_wait3A_191] : memref<1682x32xf32, #tpu.memory_space<hbm>> -> memref<1682x32xf32, #tpu.memory_space<hbm>>
    tpu.wait_indirect_dma semaphore(%arg10 : memref<!tpu.dma_semaphore, #tpu.memory_space<semaphore_mem>>) src(%dma_wait3A_192 : memref<1682x32xf32, #tpu.memory_space<hbm>>) dst(%dma_wait3A_183 : memref<128x32xf32, #tpu.memory_space<vmem>>)
    %add3A_193 = arith.constant 384 : i32
    %add3A_194 = arith.addi %mul3A_2, %add3A_193 : i32
    %dma_start3A_195 = arith.constant 384 : i32
    %dma_start3A_196 = arith.constant 0 : i32
    %dma_start3A_197 = tpu.memref_slice %arg6[%dma_start3A_195, %dma_start3A_196] : memref<1024x32xf32, #tpu.memory_space<vmem>> -> memref<128x32xf32, #tpu.memory_space<vmem>>
    %dma_start3A_198 = arith.constant 0 : i32
    %dma_start3A_199 = tpu.memref_slice %arg4[%add3A_194, %dma_start3A_198] : memref<16384x32xf32, #tpu.memory_space<hbm>> -> memref<128x32xf32, #tpu.memory_space<hbm>>
    %dma_start3A_200 = arith.constant 0 : i32
    %dma_start3A_201 = tpu.memref_slice %arg4[%add3A_194, %dma_start3A_200] : memref<16384x32xf32, #tpu.memory_space<hbm>> -> memref<128x32xf32, #tpu.memory_space<hbm>>
    %dma_start3A_202 = arith.constant 384 : i32
    %dma_start3A_203 = arith.constant 0 : i32
    %dma_start3A_204 = tpu.memref_slice %arg6[%dma_start3A_202, %dma_start3A_203] : memref<1024x32xf32, #tpu.memory_space<vmem>> -> memref<128x32xf32, #tpu.memory_space<vmem>>
    tpu.enqueue_dma source(%dma_start3A_204 : memref<128x32xf32, #tpu.memory_space<vmem>>) target(%dma_start3A_201 : memref<128x32xf32, #tpu.memory_space<hbm>>) target_semaphore(%arg15 : memref<!tpu.dma_semaphore, #tpu.memory_space<semaphore_mem>>)
    %dma_wait3A_205 = arith.constant 4 : i32
    %dma_wait3A_206 = arith.constant 512 : i32
    %dma_wait3A_207 = arith.constant 0 : i32
    %dma_wait3A_208 = tpu.memref_slice %arg6[%dma_wait3A_206, %dma_wait3A_207] : memref<1024x32xf32, #tpu.memory_space<vmem>> -> memref<128x32xf32, #tpu.memory_space<vmem>>
    %dma_wait3A_209 = arith.constant 0 : i32
    %dma_wait3A_210 = tpu.memref_slice %arg5[%dma_wait3A_205, %dma_wait3A_209] : memref<8x128xi32, #tpu.memory_space<vmem>> -> memref<1x128xi32, #tpu.memory_space<vmem>>
    %dma_wait3A_211 = tpu.memref_squeeze %dma_wait3A_210 : memref<1x128xi32, #tpu.memory_space<vmem>> -> memref<128xi32, #tpu.memory_space<vmem>>
    %dma_wait3A_212 = arith.constant 1 : i32
    %dma_wait3A_213 = arith.constant 0 : i32
    %dma_wait3A_214 = tpu.memref_slice %arg3[%dma_wait3A_212, %dma_wait3A_213] : memref<1683x32xf32, #tpu.memory_space<hbm>> -> memref<1682x32xf32, #tpu.memory_space<hbm>>
    %dma_wait3A_215 = arith.constant 0 : i32
    %dma_wait3A_216 = arith.constant 0 : i32
    %dma_wait3A_217 = tpu.memref_slice %dma_wait3A_214[%dma_wait3A_215, %dma_wait3A_216] : memref<1682x32xf32, #tpu.memory_space<hbm>> -> memref<1682x32xf32, #tpu.memory_space<hbm>>
    tpu.wait_indirect_dma semaphore(%arg11 : memref<!tpu.dma_semaphore, #tpu.memory_space<semaphore_mem>>) src(%dma_wait3A_217 : memref<1682x32xf32, #tpu.memory_space<hbm>>) dst(%dma_wait3A_208 : memref<128x32xf32, #tpu.memory_space<vmem>>)
    %add3A_218 = arith.constant 512 : i32
    %add3A_219 = arith.addi %mul3A_2, %add3A_218 : i32
    %dma_start3A_220 = arith.constant 512 : i32
    %dma_start3A_221 = arith.constant 0 : i32
    %dma_start3A_222 = tpu.memref_slice %arg6[%dma_start3A_220, %dma_start3A_221] : memref<1024x32xf32, #tpu.memory_space<vmem>> -> memref<128x32xf32, #tpu.memory_space<vmem>>
    %dma_start3A_223 = arith.constant 0 : i32
    %dma_start3A_224 = tpu.memref_slice %arg4[%add3A_219, %dma_start3A_223] : memref<16384x32xf32, #tpu.memory_space<hbm>> -> memref<128x32xf32, #tpu.memory_space<hbm>>
    %dma_start3A_225 = arith.constant 0 : i32
    %dma_start3A_226 = tpu.memref_slice %arg4[%add3A_219, %dma_start3A_225] : memref<16384x32xf32, #tpu.memory_space<hbm>> -> memref<128x32xf32, #tpu.memory_space<hbm>>
    %dma_start3A_227 = arith.constant 512 : i32
    %dma_start3A_228 = arith.constant 0 : i32
    %dma_start3A_229 = tpu.memref_slice %arg6[%dma_start3A_227, %dma_start3A_228] : memref<1024x32xf32, #tpu.memory_space<vmem>> -> memref<128x32xf32, #tpu.memory_space<vmem>>
    tpu.enqueue_dma source(%dma_start3A_229 : memref<128x32xf32, #tpu.memory_space<vmem>>) target(%dma_start3A_226 : memref<128x32xf32, #tpu.memory_space<hbm>>) target_semaphore(%arg15 : memref<!tpu.dma_semaphore, #tpu.memory_space<semaphore_mem>>)
    %dma_wait3A_230 = arith.constant 5 : i32
    %dma_wait3A_231 = arith.constant 640 : i32
    %dma_wait3A_232 = arith.constant 0 : i32
    %dma_wait3A_233 = tpu.memref_slice %arg6[%dma_wait3A_231, %dma_wait3A_232] : memref<1024x32xf32, #tpu.memory_space<vmem>> -> memref<128x32xf32, #tpu.memory_space<vmem>>
    %dma_wait3A_234 = arith.constant 0 : i32
    %dma_wait3A_235 = tpu.memref_slice %arg5[%dma_wait3A_230, %dma_wait3A_234] : memref<8x128xi32, #tpu.memory_space<vmem>> -> memref<1x128xi32, #tpu.memory_space<vmem>>
    %dma_wait3A_236 = tpu.memref_squeeze %dma_wait3A_235 : memref<1x128xi32, #tpu.memory_space<vmem>> -> memref<128xi32, #tpu.memory_space<vmem>>
    %dma_wait3A_237 = arith.constant 1 : i32
    %dma_wait3A_238 = arith.constant 0 : i32
    %dma_wait3A_239 = tpu.memref_slice %arg3[%dma_wait3A_237, %dma_wait3A_238] : memref<1683x32xf32, #tpu.memory_space<hbm>> -> memref<1682x32xf32, #tpu.memory_space<hbm>>
    %dma_wait3A_240 = arith.constant 0 : i32
    %dma_wait3A_241 = arith.constant 0 : i32
    %dma_wait3A_242 = tpu.memref_slice %dma_wait3A_239[%dma_wait3A_240, %dma_wait3A_241] : memref<1682x32xf32, #tpu.memory_space<hbm>> -> memref<1682x32xf32, #tpu.memory_space<hbm>>
    tpu.wait_indirect_dma semaphore(%arg12 : memref<!tpu.dma_semaphore, #tpu.memory_space<semaphore_mem>>) src(%dma_wait3A_242 : memref<1682x32xf32, #tpu.memory_space<hbm>>) dst(%dma_wait3A_233 : memref<128x32xf32, #tpu.memory_space<vmem>>)
    %add3A_243 = arith.constant 640 : i32
    %add3A_244 = arith.addi %mul3A_2, %add3A_243 : i32
    %dma_start3A_245 = arith.constant 640 : i32
    %dma_start3A_246 = arith.constant 0 : i32
    %dma_start3A_247 = tpu.memref_slice %arg6[%dma_start3A_245, %dma_start3A_246] : memref<1024x32xf32, #tpu.memory_space<vmem>> -> memref<128x32xf32, #tpu.memory_space<vmem>>
    %dma_start3A_248 = arith.constant 0 : i32
    %dma_start3A_249 = tpu.memref_slice %arg4[%add3A_244, %dma_start3A_248] : memref<16384x32xf32, #tpu.memory_space<hbm>> -> memref<128x32xf32, #tpu.memory_space<hbm>>
    %dma_start3A_250 = arith.constant 0 : i32
    %dma_start3A_251 = tpu.memref_slice %arg4[%add3A_244, %dma_start3A_250] : memref<16384x32xf32, #tpu.memory_space<hbm>> -> memref<128x32xf32, #tpu.memory_space<hbm>>
    %dma_start3A_252 = arith.constant 640 : i32
    %dma_start3A_253 = arith.constant 0 : i32
    %dma_start3A_254 = tpu.memref_slice %arg6[%dma_start3A_252, %dma_start3A_253] : memref<1024x32xf32, #tpu.memory_space<vmem>> -> memref<128x32xf32, #tpu.memory_space<vmem>>
    tpu.enqueue_dma source(%dma_start3A_254 : memref<128x32xf32, #tpu.memory_space<vmem>>) target(%dma_start3A_251 : memref<128x32xf32, #tpu.memory_space<hbm>>) target_semaphore(%arg15 : memref<!tpu.dma_semaphore, #tpu.memory_space<semaphore_mem>>)
    %dma_wait3A_255 = arith.constant 6 : i32
    %dma_wait3A_256 = arith.constant 768 : i32
    %dma_wait3A_257 = arith.constant 0 : i32
    %dma_wait3A_258 = tpu.memref_slice %arg6[%dma_wait3A_256, %dma_wait3A_257] : memref<1024x32xf32, #tpu.memory_space<vmem>> -> memref<128x32xf32, #tpu.memory_space<vmem>>
    %dma_wait3A_259 = arith.constant 0 : i32
    %dma_wait3A_260 = tpu.memref_slice %arg5[%dma_wait3A_255, %dma_wait3A_259] : memref<8x128xi32, #tpu.memory_space<vmem>> -> memref<1x128xi32, #tpu.memory_space<vmem>>
    %dma_wait3A_261 = tpu.memref_squeeze %dma_wait3A_260 : memref<1x128xi32, #tpu.memory_space<vmem>> -> memref<128xi32, #tpu.memory_space<vmem>>
    %dma_wait3A_262 = arith.constant 1 : i32
    %dma_wait3A_263 = arith.constant 0 : i32
    %dma_wait3A_264 = tpu.memref_slice %arg3[%dma_wait3A_262, %dma_wait3A_263] : memref<1683x32xf32, #tpu.memory_space<hbm>> -> memref<1682x32xf32, #tpu.memory_space<hbm>>
    %dma_wait3A_265 = arith.constant 0 : i32
    %dma_wait3A_266 = arith.constant 0 : i32
    %dma_wait3A_267 = tpu.memref_slice %dma_wait3A_264[%dma_wait3A_265, %dma_wait3A_266] : memref<1682x32xf32, #tpu.memory_space<hbm>> -> memref<1682x32xf32, #tpu.memory_space<hbm>>
    tpu.wait_indirect_dma semaphore(%arg13 : memref<!tpu.dma_semaphore, #tpu.memory_space<semaphore_mem>>) src(%dma_wait3A_267 : memref<1682x32xf32, #tpu.memory_space<hbm>>) dst(%dma_wait3A_258 : memref<128x32xf32, #tpu.memory_space<vmem>>)
    %add3A_268 = arith.constant 768 : i32
    %add3A_269 = arith.addi %mul3A_2, %add3A_268 : i32
    %dma_start3A_270 = arith.constant 768 : i32
    %dma_start3A_271 = arith.constant 0 : i32
    %dma_start3A_272 = tpu.memref_slice %arg6[%dma_start3A_270, %dma_start3A_271] : memref<1024x32xf32, #tpu.memory_space<vmem>> -> memref<128x32xf32, #tpu.memory_space<vmem>>
    %dma_start3A_273 = arith.constant 0 : i32
    %dma_start3A_274 = tpu.memref_slice %arg4[%add3A_269, %dma_start3A_273] : memref<16384x32xf32, #tpu.memory_space<hbm>> -> memref<128x32xf32, #tpu.memory_space<hbm>>
    %dma_start3A_275 = arith.constant 0 : i32
    %dma_start3A_276 = tpu.memref_slice %arg4[%add3A_269, %dma_start3A_275] : memref<16384x32xf32, #tpu.memory_space<hbm>> -> memref<128x32xf32, #tpu.memory_space<hbm>>
    %dma_start3A_277 = arith.constant 768 : i32
    %dma_start3A_278 = arith.constant 0 : i32
    %dma_start3A_279 = tpu.memref_slice %arg6[%dma_start3A_277, %dma_start3A_278] : memref<1024x32xf32, #tpu.memory_space<vmem>> -> memref<128x32xf32, #tpu.memory_space<vmem>>
    tpu.enqueue_dma source(%dma_start3A_279 : memref<128x32xf32, #tpu.memory_space<vmem>>) target(%dma_start3A_276 : memref<128x32xf32, #tpu.memory_space<hbm>>) target_semaphore(%arg15 : memref<!tpu.dma_semaphore, #tpu.memory_space<semaphore_mem>>)
    %dma_wait3A_280 = arith.constant 7 : i32
    %dma_wait3A_281 = arith.constant 896 : i32
    %dma_wait3A_282 = arith.constant 0 : i32
    %dma_wait3A_283 = tpu.memref_slice %arg6[%dma_wait3A_281, %dma_wait3A_282] : memref<1024x32xf32, #tpu.memory_space<vmem>> -> memref<128x32xf32, #tpu.memory_space<vmem>>
    %dma_wait3A_284 = arith.constant 0 : i32
    %dma_wait3A_285 = tpu.memref_slice %arg5[%dma_wait3A_280, %dma_wait3A_284] : memref<8x128xi32, #tpu.memory_space<vmem>> -> memref<1x128xi32, #tpu.memory_space<vmem>>
    %dma_wait3A_286 = tpu.memref_squeeze %dma_wait3A_285 : memref<1x128xi32, #tpu.memory_space<vmem>> -> memref<128xi32, #tpu.memory_space<vmem>>
    %dma_wait3A_287 = arith.constant 1 : i32
    %dma_wait3A_288 = arith.constant 0 : i32
    %dma_wait3A_289 = tpu.memref_slice %arg3[%dma_wait3A_287, %dma_wait3A_288] : memref<1683x32xf32, #tpu.memory_space<hbm>> -> memref<1682x32xf32, #tpu.memory_space<hbm>>
    %dma_wait3A_290 = arith.constant 0 : i32
    %dma_wait3A_291 = arith.constant 0 : i32
    %dma_wait3A_292 = tpu.memref_slice %dma_wait3A_289[%dma_wait3A_290, %dma_wait3A_291] : memref<1682x32xf32, #tpu.memory_space<hbm>> -> memref<1682x32xf32, #tpu.memory_space<hbm>>
    tpu.wait_indirect_dma semaphore(%arg14 : memref<!tpu.dma_semaphore, #tpu.memory_space<semaphore_mem>>) src(%dma_wait3A_292 : memref<1682x32xf32, #tpu.memory_space<hbm>>) dst(%dma_wait3A_283 : memref<128x32xf32, #tpu.memory_space<vmem>>)
    %add3A_293 = arith.constant 896 : i32
    %add3A_294 = arith.addi %mul3A_2, %add3A_293 : i32
    %dma_start3A_295 = arith.constant 896 : i32
    %dma_start3A_296 = arith.constant 0 : i32
    %dma_start3A_297 = tpu.memref_slice %arg6[%dma_start3A_295, %dma_start3A_296] : memref<1024x32xf32, #tpu.memory_space<vmem>> -> memref<128x32xf32, #tpu.memory_space<vmem>>
    %dma_start3A_298 = arith.constant 0 : i32
    %dma_start3A_299 = tpu.memref_slice %arg4[%add3A_294, %dma_start3A_298] : memref<16384x32xf32, #tpu.memory_space<hbm>> -> memref<128x32xf32, #tpu.memory_space<hbm>>
    %dma_start3A_300 = arith.constant 0 : i32
    %dma_start3A_301 = tpu.memref_slice %arg4[%add3A_294, %dma_start3A_300] : memref<16384x32xf32, #tpu.memory_space<hbm>> -> memref<128x32xf32, #tpu.memory_space<hbm>>
    %dma_start3A_302 = arith.constant 896 : i32
    %dma_start3A_303 = arith.constant 0 : i32
    %dma_start3A_304 = tpu.memref_slice %arg6[%dma_start3A_302, %dma_start3A_303] : memref<1024x32xf32, #tpu.memory_space<vmem>> -> memref<128x32xf32, #tpu.memory_space<vmem>>
    tpu.enqueue_dma source(%dma_start3A_304 : memref<128x32xf32, #tpu.memory_space<vmem>>) target(%dma_start3A_301 : memref<128x32xf32, #tpu.memory_space<hbm>>) target_semaphore(%arg15 : memref<!tpu.dma_semaphore, #tpu.memory_space<semaphore_mem>>)
    %dma_wait3A_305 = arith.constant 0 : i32
    %dma_wait3A_306 = arith.constant 0 : i32
    %dma_wait3A_307 = tpu.memref_slice %arg6[%dma_wait3A_305, %dma_wait3A_306] : memref<1024x32xf32, #tpu.memory_space<vmem>> -> memref<128x32xf32, #tpu.memory_space<vmem>>
    %dma_wait3A_308 = arith.constant 0 : i32
    %dma_wait3A_309 = tpu.memref_slice %arg4[%add3A_119, %dma_wait3A_308] : memref<16384x32xf32, #tpu.memory_space<hbm>> -> memref<128x32xf32, #tpu.memory_space<hbm>>
    %dma_wait3A_310 = arith.constant 0 : i32
    %dma_wait3A_311 = tpu.memref_slice %arg4[%add3A_119, %dma_wait3A_310] : memref<16384x32xf32, #tpu.memory_space<hbm>> -> memref<128x32xf32, #tpu.memory_space<hbm>>
    %dma_wait3A_312 = arith.constant 0 : i32
    %dma_wait3A_313 = arith.constant 0 : i32
    %dma_wait3A_314 = tpu.memref_slice %arg6[%dma_wait3A_312, %dma_wait3A_313] : memref<1024x32xf32, #tpu.memory_space<vmem>> -> memref<128x32xf32, #tpu.memory_space<vmem>>
    tpu.wait_dma2 semaphore(%arg15 : memref<!tpu.dma_semaphore, #tpu.memory_space<semaphore_mem>>) src(%dma_wait3A_314 : memref<128x32xf32, #tpu.memory_space<vmem>>) dst(%dma_wait3A_311 : memref<128x32xf32, #tpu.memory_space<hbm>>)
    %dma_wait3A_315 = arith.constant 128 : i32
    %dma_wait3A_316 = arith.constant 0 : i32
    %dma_wait3A_317 = tpu.memref_slice %arg6[%dma_wait3A_315, %dma_wait3A_316] : memref<1024x32xf32, #tpu.memory_space<vmem>> -> memref<128x32xf32, #tpu.memory_space<vmem>>
    %dma_wait3A_318 = arith.constant 0 : i32
    %dma_wait3A_319 = tpu.memref_slice %arg4[%add3A_144, %dma_wait3A_318] : memref<16384x32xf32, #tpu.memory_space<hbm>> -> memref<128x32xf32, #tpu.memory_space<hbm>>
    %dma_wait3A_320 = arith.constant 0 : i32
    %dma_wait3A_321 = tpu.memref_slice %arg4[%add3A_144, %dma_wait3A_320] : memref<16384x32xf32, #tpu.memory_space<hbm>> -> memref<128x32xf32, #tpu.memory_space<hbm>>
    %dma_wait3A_322 = arith.constant 128 : i32
    %dma_wait3A_323 = arith.constant 0 : i32
    %dma_wait3A_324 = tpu.memref_slice %arg6[%dma_wait3A_322, %dma_wait3A_323] : memref<1024x32xf32, #tpu.memory_space<vmem>> -> memref<128x32xf32, #tpu.memory_space<vmem>>
    tpu.wait_dma2 semaphore(%arg15 : memref<!tpu.dma_semaphore, #tpu.memory_space<semaphore_mem>>) src(%dma_wait3A_324 : memref<128x32xf32, #tpu.memory_space<vmem>>) dst(%dma_wait3A_321 : memref<128x32xf32, #tpu.memory_space<hbm>>)
    %dma_wait3A_325 = arith.constant 256 : i32
    %dma_wait3A_326 = arith.constant 0 : i32
    %dma_wait3A_327 = tpu.memref_slice %arg6[%dma_wait3A_325, %dma_wait3A_326] : memref<1024x32xf32, #tpu.memory_space<vmem>> -> memref<128x32xf32, #tpu.memory_space<vmem>>
    %dma_wait3A_328 = arith.constant 0 : i32
    %dma_wait3A_329 = tpu.memref_slice %arg4[%add3A_169, %dma_wait3A_328] : memref<16384x32xf32, #tpu.memory_space<hbm>> -> memref<128x32xf32, #tpu.memory_space<hbm>>
    %dma_wait3A_330 = arith.constant 0 : i32
    %dma_wait3A_331 = tpu.memref_slice %arg4[%add3A_169, %dma_wait3A_330] : memref<16384x32xf32, #tpu.memory_space<hbm>> -> memref<128x32xf32, #tpu.memory_space<hbm>>
    %dma_wait3A_332 = arith.constant 256 : i32
    %dma_wait3A_333 = arith.constant 0 : i32
    %dma_wait3A_334 = tpu.memref_slice %arg6[%dma_wait3A_332, %dma_wait3A_333] : memref<1024x32xf32, #tpu.memory_space<vmem>> -> memref<128x32xf32, #tpu.memory_space<vmem>>
    tpu.wait_dma2 semaphore(%arg15 : memref<!tpu.dma_semaphore, #tpu.memory_space<semaphore_mem>>) src(%dma_wait3A_334 : memref<128x32xf32, #tpu.memory_space<vmem>>) dst(%dma_wait3A_331 : memref<128x32xf32, #tpu.memory_space<hbm>>)
    %dma_wait3A_335 = arith.constant 384 : i32
    %dma_wait3A_336 = arith.constant 0 : i32
    %dma_wait3A_337 = tpu.memref_slice %arg6[%dma_wait3A_335, %dma_wait3A_336] : memref<1024x32xf32, #tpu.memory_space<vmem>> -> memref<128x32xf32, #tpu.memory_space<vmem>>
    %dma_wait3A_338 = arith.constant 0 : i32
    %dma_wait3A_339 = tpu.memref_slice %arg4[%add3A_194, %dma_wait3A_338] : memref<16384x32xf32, #tpu.memory_space<hbm>> -> memref<128x32xf32, #tpu.memory_space<hbm>>
    %dma_wait3A_340 = arith.constant 0 : i32
    %dma_wait3A_341 = tpu.memref_slice %arg4[%add3A_194, %dma_wait3A_340] : memref<16384x32xf32, #tpu.memory_space<hbm>> -> memref<128x32xf32, #tpu.memory_space<hbm>>
    %dma_wait3A_342 = arith.constant 384 : i32
    %dma_wait3A_343 = arith.constant 0 : i32
    %dma_wait3A_344 = tpu.memref_slice %arg6[%dma_wait3A_342, %dma_wait3A_343] : memref<1024x32xf32, #tpu.memory_space<vmem>> -> memref<128x32xf32, #tpu.memory_space<vmem>>
    tpu.wait_dma2 semaphore(%arg15 : memref<!tpu.dma_semaphore, #tpu.memory_space<semaphore_mem>>) src(%dma_wait3A_344 : memref<128x32xf32, #tpu.memory_space<vmem>>) dst(%dma_wait3A_341 : memref<128x32xf32, #tpu.memory_space<hbm>>)
    %dma_wait3A_345 = arith.constant 512 : i32
    %dma_wait3A_346 = arith.constant 0 : i32
    %dma_wait3A_347 = tpu.memref_slice %arg6[%dma_wait3A_345, %dma_wait3A_346] : memref<1024x32xf32, #tpu.memory_space<vmem>> -> memref<128x32xf32, #tpu.memory_space<vmem>>
    %dma_wait3A_348 = arith.constant 0 : i32
    %dma_wait3A_349 = tpu.memref_slice %arg4[%add3A_219, %dma_wait3A_348] : memref<16384x32xf32, #tpu.memory_space<hbm>> -> memref<128x32xf32, #tpu.memory_space<hbm>>
    %dma_wait3A_350 = arith.constant 0 : i32
    %dma_wait3A_351 = tpu.memref_slice %arg4[%add3A_219, %dma_wait3A_350] : memref<16384x32xf32, #tpu.memory_space<hbm>> -> memref<128x32xf32, #tpu.memory_space<hbm>>
    %dma_wait3A_352 = arith.constant 512 : i32
    %dma_wait3A_353 = arith.constant 0 : i32
    %dma_wait3A_354 = tpu.memref_slice %arg6[%dma_wait3A_352, %dma_wait3A_353] : memref<1024x32xf32, #tpu.memory_space<vmem>> -> memref<128x32xf32, #tpu.memory_space<vmem>>
    tpu.wait_dma2 semaphore(%arg15 : memref<!tpu.dma_semaphore, #tpu.memory_space<semaphore_mem>>) src(%dma_wait3A_354 : memref<128x32xf32, #tpu.memory_space<vmem>>) dst(%dma_wait3A_351 : memref<128x32xf32, #tpu.memory_space<hbm>>)
    %dma_wait3A_355 = arith.constant 640 : i32
    %dma_wait3A_356 = arith.constant 0 : i32
    %dma_wait3A_357 = tpu.memref_slice %arg6[%dma_wait3A_355, %dma_wait3A_356] : memref<1024x32xf32, #tpu.memory_space<vmem>> -> memref<128x32xf32, #tpu.memory_space<vmem>>
    %dma_wait3A_358 = arith.constant 0 : i32
    %dma_wait3A_359 = tpu.memref_slice %arg4[%add3A_244, %dma_wait3A_358] : memref<16384x32xf32, #tpu.memory_space<hbm>> -> memref<128x32xf32, #tpu.memory_space<hbm>>
    %dma_wait3A_360 = arith.constant 0 : i32
    %dma_wait3A_361 = tpu.memref_slice %arg4[%add3A_244, %dma_wait3A_360] : memref<16384x32xf32, #tpu.memory_space<hbm>> -> memref<128x32xf32, #tpu.memory_space<hbm>>
    %dma_wait3A_362 = arith.constant 640 : i32
    %dma_wait3A_363 = arith.constant 0 : i32
    %dma_wait3A_364 = tpu.memref_slice %arg6[%dma_wait3A_362, %dma_wait3A_363] : memref<1024x32xf32, #tpu.memory_space<vmem>> -> memref<128x32xf32, #tpu.memory_space<vmem>>
    tpu.wait_dma2 semaphore(%arg15 : memref<!tpu.dma_semaphore, #tpu.memory_space<semaphore_mem>>) src(%dma_wait3A_364 : memref<128x32xf32, #tpu.memory_space<vmem>>) dst(%dma_wait3A_361 : memref<128x32xf32, #tpu.memory_space<hbm>>)
    %dma_wait3A_365 = arith.constant 768 : i32
    %dma_wait3A_366 = arith.constant 0 : i32
    %dma_wait3A_367 = tpu.memref_slice %arg6[%dma_wait3A_365, %dma_wait3A_366] : memref<1024x32xf32, #tpu.memory_space<vmem>> -> memref<128x32xf32, #tpu.memory_space<vmem>>
    %dma_wait3A_368 = arith.constant 0 : i32
    %dma_wait3A_369 = tpu.memref_slice %arg4[%add3A_269, %dma_wait3A_368] : memref<16384x32xf32, #tpu.memory_space<hbm>> -> memref<128x32xf32, #tpu.memory_space<hbm>>
    %dma_wait3A_370 = arith.constant 0 : i32
    %dma_wait3A_371 = tpu.memref_slice %arg4[%add3A_269, %dma_wait3A_370] : memref<16384x32xf32, #tpu.memory_space<hbm>> -> memref<128x32xf32, #tpu.memory_space<hbm>>
    %dma_wait3A_372 = arith.constant 768 : i32
    %dma_wait3A_373 = arith.constant 0 : i32
    %dma_wait3A_374 = tpu.memref_slice %arg6[%dma_wait3A_372, %dma_wait3A_373] : memref<1024x32xf32, #tpu.memory_space<vmem>> -> memref<128x32xf32, #tpu.memory_space<vmem>>
    tpu.wait_dma2 semaphore(%arg15 : memref<!tpu.dma_semaphore, #tpu.memory_space<semaphore_mem>>) src(%dma_wait3A_374 : memref<128x32xf32, #tpu.memory_space<vmem>>) dst(%dma_wait3A_371 : memref<128x32xf32, #tpu.memory_space<hbm>>)
    %dma_wait3A_375 = arith.constant 896 : i32
    %dma_wait3A_376 = arith.constant 0 : i32
    %dma_wait3A_377 = tpu.memref_slice %arg6[%dma_wait3A_375, %dma_wait3A_376] : memref<1024x32xf32, #tpu.memory_space<vmem>> -> memref<128x32xf32, #tpu.memory_space<vmem>>
    %dma_wait3A_378 = arith.constant 0 : i32
    %dma_wait3A_379 = tpu.memref_slice %arg4[%add3A_294, %dma_wait3A_378] : memref<16384x32xf32, #tpu.memory_space<hbm>> -> memref<128x32xf32, #tpu.memory_space<hbm>>
    %dma_wait3A_380 = arith.constant 0 : i32
    %dma_wait3A_381 = tpu.memref_slice %arg4[%add3A_294, %dma_wait3A_380] : memref<16384x32xf32, #tpu.memory_space<hbm>> -> memref<128x32xf32, #tpu.memory_space<hbm>>
    %dma_wait3A_382 = arith.constant 896 : i32
    %dma_wait3A_383 = arith.constant 0 : i32
    %dma_wait3A_384 = tpu.memref_slice %arg6[%dma_wait3A_382, %dma_wait3A_383] : memref<1024x32xf32, #tpu.memory_space<vmem>> -> memref<128x32xf32, #tpu.memory_space<vmem>>
    tpu.wait_dma2 semaphore(%arg15 : memref<!tpu.dma_semaphore, #tpu.memory_space<semaphore_mem>>) src(%dma_wait3A_384 : memref<128x32xf32, #tpu.memory_space<vmem>>) dst(%dma_wait3A_381 : memref<128x32xf32, #tpu.memory_space<hbm>>)
    return
  }
}

</mosaic_0001>

<sc_bundles>
// kernel: kernel.3.cloned.1.call-start
scs
__scs_entry_jumppad:
0x0: {  	(pc) =	sbr.rel $0x88, $3  }
0x1: {  	(tag) =	ssettag $0x0;
	lr =	simm.s32 $0x1  }
0x2: {  	[smem:$0x3F9F] =	sst lr;
	_ =	strace $0xD0000000  }
0x3: {  	_ = 	snop  }
0x4: {  	_ = 	snop  }
0x5: {  	_ = 	snop  }
0x6: {  	_ = 	snop  }
0x7: {  	_ = 	snop  }
__scs_overlays_trampoline_lowered:
0x8: {  	[smem:$0x3FAE] =	sst s0  }
0x9: {  	[smem:$0x3FAF] =	sst s1  }
0xa: {  	[smem:$0x3FB0] =	sst s2  }
0xb: {  	[smem:$0x3FB1] =	sst s3  }
0xc: {  	[smem:$0x3FB2] =	sst s4  }
0xd: {  	[smem:$0x3FB3] =	sst s5  }
0xe: {  	[smem:$0x3FB4] =	sst s6  }
0xf: {  	[smem:$0x3FB5] =	sst s7  }
0x10: {  	[smem:$0x3FB6] =	sst s8  }
0x11: {  	[smem:$0x3FB7] =	sst s9;
	s0 =	simm.s32 @!p0 $0x0  }
0x12: {  	s1 =	sld [smem:$0x3F9D];
	s0 =	simm.s32 @p0 $0x1  }
0x13: {  	[smem:$0x3FB8] =	sst s0;
	s0 =	simm.s32 @!p1 $0x0  }
0x14: {  	s2 =	sld [smem:$0x3F9C];
	s0 =	simm.s32 @p1 $0x1  }
0x15: {  	[smem:$0x3FB9] =	sst s0;
	s0 =	simm.s32 @!p2 $0x0  }
0x16: {  	s3 =	sld [smem:$0x3FDB];
	s0 =	simm.s32 @p2 $0x1  }
0x17: {  	s4 =	simm.s32 $0x1BF5;
	[smem:$0x3FBB] =	sst s0  }
0x18: {  	s0 =	sld [smem:$0x3F9E];
	_ =	swait.ge [sflag:s4], $0x0  }
0x19: {  	s7 =	sld [smem:$0x3F9F]  }
0x1a: {  	s8 =	sadd.s32 $0xFFFFE003, lr  }
0x1b: {  	s9 =	sadd.s32 $0xFFFFFEF7, lr;
	s5 =	simm.s32 $0xFFFFFFFF;
	p2 =	slt.u32 s8, $0xFFFFF086  }
0x1c: {  	p1 =	slt.u32 s9, $0xF7A;
	s5 =	simm.s32 @!p2 $0x0  }
0x1d: {  	s5 =	simm.s32 @p1 $0x1;
	p0 =	seq.s32 s7, s2  }
0x1e: {  	s7 =	smul.u32 @!p0 $0xF7A, s2;
	p2 =	seq.s32 @!p0 s5, $0x0  }
0x1f: {  	s9 =	smul.u32 $0xF7A, s1;
	s8 =	simm.s32 @!p0 $0x1BF5;
	p2 =	por !p2, p0  }
0x20: {  	[sflag:s8] =	ssyncset.s32 @!p0 $0xFFFFF086;
	s6 =	sadd.s32 @!p0 s3, s7;
	s7 =	simm.s32 @!p0 $0x108  }
0x21: {  	s3 =	sadd.s32 s3, s9;
	s6 =	sadd.s32 @!p0 $0x88, s6;
	s7 =	simm.s32 @p2 $0x1082  }
0x22: {  	[simem:s7], [sflag:s8] =	dma.local @!p0 [hbm:s6], $0xF7A  }
0x23: {  	s9 =	sor.u32 $0xD0000000, s2;
	s6 =	simm.s32 $0x108;
	_ =	swait.ge @!p0 [sflag:s8], $0x0  }
0x24: {  	s3 =	sadd.s32 $0x88, s3;
	s6 =	simm.s32 @!p1 $0x1082;
	[sflag:s4] =	ssyncset.s32 $0xFFFFF086  }
0x25: {  	[simem:s6], [sflag:s4] =	dma.local [hbm:s3], $0xF7A  }
0x26: {  	[smem:$0x3F9F] =	sst s1;
	(tag) =	ssettag s2;
	_ =	strace s9  }
0x27: {  	s1 =	sld [smem:$0x3FAF]  }
0x28: {  	s2 =	sld [smem:$0x3FB0]  }
0x29: {  	s4 =	sld [smem:$0x3FB2]  }
0x2a: {  	p0 =	seq.s32 s5, $0x0;
	s5 =	sld [smem:$0x3FB3]  }
0x2b: {  	s6 =	sld [smem:$0x3FB4]  }
0x2c: {  	s7 =	sld [smem:$0x3FB5]  }
0x2d: {  	s3 =	simm.s32 $0x108;
	s8 =	sld [smem:$0x3FB6]  }
0x2e: {  	s3 =	simm.s32 @!p0 $0x1082;
	s9 =	sld [smem:$0x3FB7]  }
0x2f: {  	lr =	sadd.s32 s0, s3;
	s0 =	sld [smem:$0x3FAE]  }
0x30: {  	s3 =	sld [smem:$0x3FB1]  }
0x31: {  	[smem:$0x3FBA] =	sst s10  }
0x32: {  	s10 =	sld [smem:$0x3FB8];
	_ =	sdelay $0x3  }
0x33: {  	p0 =	seq.s32 s10, $0x1;
	s10 =	sld [smem:$0x3FBA];
	_ =	sdelay $0x3  }
0x34: {  	[smem:$0x3FBA] =	sst s10  }
0x35: {  	s10 =	sld [smem:$0x3FB9];
	_ =	sdelay $0x3  }
0x36: {  	p1 =	seq.s32 s10, $0x1;
	s10 =	sld [smem:$0x3FBA];
	_ =	sdelay $0x3  }
0x37: {  	[smem:$0x3FBA] =	sst s10  }
0x38: {  	s10 =	sld [smem:$0x3FBB]  }
0x39: {  	_ = 	snop;
	(pc) =	sbr.ind lr, $3  }
0x3a: {  	_ = 	snop  }
0x3b: {  	_ = 	snop  }
0x3c: {  	p2 =	seq.s32 s10, $0x1;
	s10 =	sld [smem:$0x3FBA]  }
0x3d: {  	_ =	shalt  }
0x3e: {  	_ =	shalt  }
0x3f: {  	_ =	shalt  }
0x40: {  	_ =	shalt  }
0x41: {  	_ =	shalt  }
0x42: {  	_ =	shalt  }
0x43: {  	_ =	shalt  }
0x44: {  	_ =	shalt  }
0x45: {  	_ =	shalt  }
0x46: {  	_ =	shalt  }
0x47: {  	_ =	shalt  }
0x48: {  	_ =	shalt  }
0x49: {  	_ =	shalt  }
0x4a: {  	_ =	shalt  }
0x4b: {  	_ =	shalt  }
0x4c: {  	_ =	shalt  }
0x4d: {  	_ =	shalt  }
0x4e: {  	_ =	shalt  }
0x4f: {  	_ =	shalt  }
0x50: {  	_ =	shalt  }
0x51: {  	_ =	shalt  }
0x52: {  	_ =	shalt  }
0x53: {  	_ =	shalt  }
0x54: {  	_ =	shalt  }
0x55: {  	_ =	shalt  }
0x56: {  	_ =	shalt  }
0x57: {  	_ =	shalt  }
0x58: {  	_ =	shalt  }
0x59: {  	_ =	shalt  }
0x5a: {  	_ =	shalt  }
0x5b: {  	_ =	shalt  }
0x5c: {  	_ =	shalt  }
0x5d: {  	_ =	shalt  }
0x5e: {  	_ =	shalt  }
0x5f: {  	_ =	shalt  }
0x60: {  	_ =	shalt  }
0x61: {  	_ =	shalt  }
0x62: {  	_ =	shalt  }
0x63: {  	_ =	shalt  }
0x64: {  	_ =	shalt  }
0x65: {  	_ =	shalt  }
0x66: {  	_ =	shalt  }
0x67: {  	_ =	shalt  }
0x68: {  	_ =	shalt  }
0x69: {  	_ =	shalt  }
0x6a: {  	_ =	shalt  }
0x6b: {  	_ =	shalt  }
0x6c: {  	_ =	shalt  }
0x6d: {  	_ =	shalt  }
0x6e: {  	_ =	shalt  }
0x6f: {  	_ =	shalt  }
0x70: {  	_ =	shalt  }
0x71: {  	_ =	shalt  }
0x72: {  	_ =	shalt  }
0x73: {  	_ =	shalt  }
0x74: {  	_ =	shalt  }
0x75: {  	_ =	shalt  }
0x76: {  	_ =	shalt  }
0x77: {  	_ =	shalt  }
0x78: {  	_ =	shalt  }
0x79: {  	_ =	shalt  }
0x7a: {  	_ =	shalt  }
0x7b: {  	_ =	shalt  }
0x7c: {  	_ =	shalt  }
0x7d: {  	_ =	shalt  }
0x7e: {  	_ =	shalt  }
0x7f: {  	_ =	shalt  }
0x80: {  	_ =	shalt  }
0x81: {  	_ =	shalt  }
0x82: {  	_ =	shalt  }
0x83: {  	_ =	shalt  }
0x84: {  	_ =	shalt  }
0x85: {  	_ =	shalt  }
0x86: {  	_ =	shalt  }
0x87: {  	_ =	shalt  }
.Lfunc_end0:
.L_simem_size_0:
called_computation_lowered:
.L_overlay_start_0:
0x88: {  	s0 =	sld [smem:$0x3FD9]  }
0x89: {  	s1 =	sld [smem:$0x3FFE];
	_ =	sdelay $0x3  }
0x8a: {  	s0 =	sadd.s32 s1, s0  }
0x8b: {  	[smem:$0x3FC6] =	sst s0  }
0x8c: {  	_ = 	snop  }
0x8d: {  	s0 =	sld [smem:$0x3FC9]  }
0x8e: {  	s16 =	sld [smem:$0x3FD0];
	(tm) =	ssettm $0x1  }
0x8f: {  	s2 =	sld [smem:$0x3FFB];
	_ =	sdelay $0x3  }
0x90: {  	_ =	strace s2  }
0x91: {  	s2 =	sld [smem:$0x3FFC];
	_ =	sdelay $0x3  }
0x92: {  	_ =	strace s2  }
0x93: {  	s2 =	sld [smem:$0x3FFD];
	_ =	sdelay $0x3  }
0x94: {  	_ =	strace s2  }
0x95: {  	_ =	strace $0x8FFFFFFF  }
0x96: {  	s17 =	sld [smem:$0x3FDB];
	_ =	sdelay $0x1  }
0x97: {  	s3 =	simm.s32 $_scs_section_size  }
0x98: {  	s4 =	simm.s32 $_size__tile_overlayer_lowered;
	s5 =	simm.s32 $_tile_overlayer_lowered  }
0x99: {  	s20 =	simm.s32 $0x1BFF;
	s19 =	sshll.u32 s5, $0x1;
	s2 =	sadd.s32 s3, s17  }
0x9a: {  	s6 =	simm.s32 $0x0;
	s18 =	sshll.u32 s4, $0x1;
	s4 =	sadd.s32 s19, s2  }
0x9b: {  	[timem:s6], [sflag:s20] =	dma.local [hbm:s4], s18  }
0x9c: {  	_ =	swait.ge [sflag:s20], s18  }
0x9d: {  	s3 =	ssub.s32 $0x0, s18;
	[sflag:s20] =	ssyncset.done $0x0  }
0x9e: {  	[sflag:s20] =	ssyncadd.s32 s3;
	_ =	sdelay $0x1  }
0x9f: {  	s21 =	simm.s32 $0x1B8B  }
0xa0: {  	_ =	swait.ge [sflag:s21], $0x1  }
0xa1: {  	[sflag:s21] =	ssyncset.done $0x0  }
0xa2: {  	s23 =	simm.s32 $0x1B8E;
	s22 =	sld [smem:$0x3FFE];
	[sflag:s21] =	ssyncadd.s32 $0xFFFFFFFF  }
0xa3: {  	s24 =	simm.s32 $execute0_lowered;
	[smem:$0x3FD2] =	sst s23  }
0xa4: {  	s4 =	sshll.u32 s24, $0x1;
	_ =	strace $0x80000046;
	[dreg:$0x1] =	wrdreg $0xFFFFFFFF  }
0xa5: {  	s25 =	simm.s32 $_size_execute0_lowered;
	s2 =	sadd.s32 s2, s4;
	[dreg:$0x0] =	wrdreg $0x0  }
0xa6: {  	s4 =	sshll.u32 s25, $0x1;
	[dreg:$0x2] =	wrdreg s2  }
0xa7: {  	[dreg:$0x3] =	wrdreg s4  }
0xa8: {  	[dreg:$0x4] =	wrdreg $0xC0  }
0xa9: {  	_ =	task [dreg:s6], $0x5FFFF  }
0xaa: {  	[dreg:$0x1] =	wrdreg $0xFFFFFFFF  }
0xab: {  	[dreg:$0x0] =	wrdreg $0x60  }
0xac: {  	[dreg:$0x2] =	wrdreg s0  }
0xad: {  	[dreg:$0x3] =	wrdreg s22  }
0xae: {  	[dreg:$0x4] =	wrdreg s16  }
0xaf: {  	[dreg:$0x5] =	wrdreg $0x9  }
0xb0: {  	_ =	task.clear_ibuf [dreg:s6], $0x6FFFF;
	_ =	strace $0x90000046  }
0xb1: {  	s26 =	simm.s32 $0x9;
	_ =	strace $0x80000048  }
0xb2: {  	_ =	swait.ge [sflag:s26], $0x1  }
0xb3: {  	[sflag:s26] =	ssyncadd.s32 $0xFFFFFFFF  }
0xb4: {  	_ =	strace $0x90000048  }
0xb5: {  	_ =	sfence  }
0xb6: {  	s28 =	sld [smem:$0x0];
	_ =	sdelay $0x1  }
0xb7: {  	s29 =	srdreg.scid  }
0xb8: {  	s30 =	sshll.u32 s29, $0xD;
	s31 =	sshrl.u32 s29, $0x2  }
0xb9: {  	s1 =	sand.u32 $0x1, s29;
	s2 =	sand.u32 $0x4000, s30;
	s0 =	sadd.s32 s31, s28  }
0xba: {  	s1 =	sor.u32 s2, s1;
	s0 =	sshll.u32 s0, $0x11  }
0xbb: {  	s0 =	sor.u32 s0, s1  }
0xbc: {  	s0 =	sadd.s32 $0x8F2B, s0  }
0xbd: {  	[sflag:s0] =	ssyncadd.remote.s32 $0x1  }
0xbe: {  	_ =	sfence.sel $0xFFFF  }
0xbf: {  	[dreg:$0x0] =	wrdreg $0xFFFFFFFF;
	(pc) =	sbr.abs _section_cstart, $3  }
0xc0: {  	[dreg:$0x1] =	wrdreg $0xFFFFFFFF  }
0xc1: {  	_ =	task.clear_ibuf [dreg:s6], $0x2FFFF;
	_ =	strace $0x9FFFFFFF  }
0xc2: {  	(tm) =	ssettm $0x7FFFFFFF  }
0xc3: {  	_ =	shalt  }
tec
execute0_lowered:
.L_overlay_start_1:
0x0: {  	(tag) =	ssettag $0x1  }
0x1: {  	s3 =	rddreg [dreg:$0x0]  }
0x2: {  	s4 =	rddreg [dreg:$0x1]  }
0x3: {  	s5 =	rddreg [dreg:$0x2]  }
0x4: {  	s0 =	rddreg [dreg:$0x3];
	s2 =	simm.s32 $0x0;
	s1 =	stileid.u32  }
0x5: {  	[smem:$0x7FF] =	sst s2;
	s6 =	sshll.u32 s1, $0x7  }
0x6: {  	s29 =	simm.s32 $0xA;
	_ =	strace $0x80000047;
	s3 =	sadd.s32 s3, s6  }
0x7: {  	[tilespmem:s2], [sflag:$0xA] =	stream.linear.gather [hbm4b:s3+s2], $0x400, $0x38;
	[tilespmem:$0x8400] =	vst v63  }
0x8: {  	_ =	swait.ge [sflag:s29], $0x400  }
0x9: {  	s30 =	simm.s32 $0x80;
	[sflag:s29] =	ssyncset.done $0x0  }
0xa: {  	s31 =	simm.s32 $0x400;
	s4 =	sadd.s32 $0x404, s4;
	[sflag:s29] =	ssyncadd.s32 $0xFFFFFC00  }
0xb: {  	[tilespmem:s31], [sflag:$0x1] =	stream.indirect.gather [hbm4b:s4+s30], $0x20, s2, s30, $0xb8;
	[tilespmem:$0x8400] =	vst v63  }
0xc: {  	s7 =	simm.s32 $0x1400  }
0xd: {  	[tilespmem:s7], [sflag:$0x2] =	stream.indirect.gather [hbm4b:s4+s30], $0x20, s30, s30, $0xb8;
	[tilespmem:$0x8400] =	vst v63  }
0xe: {  	s8 =	simm.s32 $0x100;
	s9 =	simm.s32 $0x2400  }
0xf: {  	[tilespmem:s9], [sflag:$0x3] =	stream.indirect.gather [hbm4b:s4+s30], $0x20, s8, s30, $0xb8;
	[tilespmem:$0x8400] =	vst v63  }
0x10: {  	s11 =	simm.s32 $0x180;
	s10 =	simm.s32 $0x3400  }
0x11: {  	[tilespmem:s10], [sflag:$0x4] =	stream.indirect.gather [hbm4b:s4+s30], $0x20, s11, s30, $0xb8;
	[tilespmem:$0x8400] =	vst v63  }
0x12: {  	s12 =	simm.s32 $0x200;
	s11 =	simm.s32 $0x4400  }
0x13: {  	[tilespmem:s11], [sflag:$0x5] =	stream.indirect.gather [hbm4b:s4+s30], $0x20, s12, s30, $0xb8;
	[tilespmem:$0x8400] =	vst v63  }
0x14: {  	s13 =	simm.s32 $0x280;
	s12 =	simm.s32 $0x5400  }
0x15: {  	[tilespmem:s12], [sflag:$0x6] =	stream.indirect.gather [hbm4b:s4+s30], $0x20, s13, s30, $0xb8;
	[tilespmem:$0x8400] =	vst v63  }
0x16: {  	s14 =	simm.s32 $0x300;
	s13 =	simm.s32 $0x6400  }
0x17: {  	[tilespmem:s13], [sflag:$0x7] =	stream.indirect.gather [hbm4b:s4+s30], $0x20, s14, s30, $0xb8;
	[tilespmem:$0x8400] =	vst v63  }
0x18: {  	s15 =	simm.s32 $0x380;
	s16 =	simm.s32 $0x1;
	s14 =	simm.s32 $0x7400  }
0x19: {  	[tilespmem:s14], [sflag:$0x8] =	stream.indirect.gather [hbm4b:s4+s30], $0x20, s15, s30, $0xb8;
	[tilespmem:$0x8400] =	vst v63  }
0x1a: {  	_ =	swait.ge [sflag:s16], $0x1000  }
0x1b: {  	s17 =	sshll.u32 s1, $0xC;
	[sflag:s16] =	ssyncset.done $0x0  }
0x1c: {  	s18 =	simm.s32 $0x2;
	s4 =	sadd.s32 s5, s17;
	[sflag:s16] =	ssyncadd.s32 $0xFFFFF000  }
0x1d: {  	[hbm4b:s4+s2] =	stream.linear.scatter [tilespmem:s31], [sflag:$0x9], $0x1000, $0x38;
	[tilespmem:$0x8400] =	vst v63  }
0x1e: {  	_ =	swait.ge [sflag:s18], $0x1000  }
0x1f: {  	[sflag:s18] =	ssyncset.done $0x0  }
0x20: {  	s19 =	simm.s32 $0x3;
	s5 =	sadd.s32 $0x200, s4;
	[sflag:s18] =	ssyncadd.s32 $0xFFFFF000  }
0x21: {  	[hbm4b:s5+s2] =	stream.linear.scatter [tilespmem:s7], [sflag:$0x9], $0x1000, $0x38;
	[tilespmem:$0x8400] =	vst v63  }
0x22: {  	_ =	swait.ge [sflag:s19], $0x1000  }
0x23: {  	[sflag:s19] =	ssyncset.done $0x0  }
0x24: {  	s21 =	simm.s32 $0x4;
	s20 =	sadd.s32 $0x400, s4;
	[sflag:s19] =	ssyncadd.s32 $0xFFFFF000  }
0x25: {  	[hbm4b:s20+s2] =	stream.linear.scatter [tilespmem:s9], [sflag:$0x9], $0x1000, $0x38;
	[tilespmem:$0x8400] =	vst v63  }
0x26: {  	_ =	swait.ge [sflag:s21], $0x1000  }
0x27: {  	[sflag:s21] =	ssyncset.done $0x0  }
0x28: {  	s23 =	simm.s32 $0x5;
	s22 =	sadd.s32 $0x600, s4;
	[sflag:s21] =	ssyncadd.s32 $0xFFFFF000  }
0x29: {  	[hbm4b:s22+s2] =	stream.linear.scatter [tilespmem:s10], [sflag:$0x9], $0x1000, $0x38;
	[tilespmem:$0x8400] =	vst v63  }
0x2a: {  	_ =	swait.ge [sflag:s23], $0x1000  }
0x2b: {  	[sflag:s23] =	ssyncset.done $0x0  }
0x2c: {  	s25 =	simm.s32 $0x6;
	s24 =	sadd.s32 $0x800, s4;
	[sflag:s23] =	ssyncadd.s32 $0xFFFFF000  }
0x2d: {  	[hbm4b:s24+s2] =	stream.linear.scatter [tilespmem:s11], [sflag:$0x9], $0x1000, $0x38;
	[tilespmem:$0x8400] =	vst v63  }
0x2e: {  	_ =	swait.ge [sflag:s25], $0x1000  }
0x2f: {  	[sflag:s25] =	ssyncset.done $0x0  }
0x30: {  	s28 =	simm.s32 $0x7;
	s26 =	sadd.s32 $0xA00, s4;
	[sflag:s25] =	ssyncadd.s32 $0xFFFFF000  }
0x31: {  	[hbm4b:s26+s2] =	stream.linear.scatter [tilespmem:s12], [sflag:$0x9], $0x1000, $0x38;
	[tilespmem:$0x8400] =	vst v63  }
0x32: {  	_ =	swait.ge [sflag:s28], $0x1000  }
0x33: {  	[sflag:s28] =	ssyncset.done $0x0  }
0x34: {  	s30 =	simm.s32 $0x8;
	s29 =	sadd.s32 $0xC00, s4;
	[sflag:s28] =	ssyncadd.s32 $0xFFFFF000  }
0x35: {  	[hbm4b:s29+s2] =	stream.linear.scatter [tilespmem:s13], [sflag:$0x9], $0x1000, $0x38;
	[tilespmem:$0x8400] =	vst v63  }
0x36: {  	_ =	swait.ge [sflag:s30], $0x1000  }
0x37: {  	[sflag:s30] =	ssyncset.done $0x0  }
0x38: {  	s4 =	sadd.s32 $0xE00, s4;
	s31 =	simm.s32 $0x9;
	[sflag:s30] =	ssyncadd.s32 $0xFFFFF000  }
0x39: {  	[hbm4b:s4+s2] =	stream.linear.scatter [tilespmem:s14], [sflag:$0x9], $0x1000, $0x38;
	[tilespmem:$0x8400] =	vst v63  }
0x3a: {  	_ =	swait.ge [sflag:s31], $0x1000  }
0x3b: {  	[sflag:s31] =	ssyncset.done $0x0  }
0x3c: {  	[sflag:s31] =	ssyncadd.s32 $0xFFFFF000  }
0x3d: {  	_ =	swait.ge [sflag:s31], $0x1000  }
0x3e: {  	[sflag:s31] =	ssyncset.done $0x0  }
0x3f: {  	[sflag:s31] =	ssyncadd.s32 $0xFFFFF000  }
0x40: {  	_ =	swait.ge [sflag:s31], $0x1000  }
0x41: {  	[sflag:s31] =	ssyncset.done $0x0  }
0x42: {  	[sflag:s31] =	ssyncadd.s32 $0xFFFFF000  }
0x43: {  	_ =	swait.ge [sflag:s31], $0x1000  }
0x44: {  	[sflag:s31] =	ssyncset.done $0x0  }
0x45: {  	[sflag:s31] =	ssyncadd.s32 $0xFFFFF000  }
0x46: {  	_ =	swait.ge [sflag:s31], $0x1000  }
0x47: {  	[sflag:s31] =	ssyncset.done $0x0  }
0x48: {  	[sflag:s31] =	ssyncadd.s32 $0xFFFFF000  }
0x49: {  	_ =	swait.ge [sflag:s31], $0x1000  }
0x4a: {  	[sflag:s31] =	ssyncset.done $0x0  }
0x4b: {  	[sflag:s31] =	ssyncadd.s32 $0xFFFFF000  }
0x4c: {  	_ =	swait.ge [sflag:s31], $0x1000  }
0x4d: {  	[sflag:s31] =	ssyncset.done $0x0  }
0x4e: {  	[sflag:s31] =	ssyncadd.s32 $0xFFFFF000  }
0x4f: {  	_ =	swait.ge [sflag:s31], $0x1000  }
0x50: {  	[sflag:s31] =	ssyncset.done $0x0  }
0x51: {  	[sflag:s31] =	ssyncadd.s32 $0xFFFFF000  }
0x52: {  	_ =	sfence.sel $0x180000  }
0x53: {  	[bflag:$0x0] =	sbarrier.arrive $0xFFFF  }
0x54: {  	p0 =	sne.s32 s1, $0x0;
	_ =	strace $0x90000047  }
0x55: {  	s0 =	sadd.s32 @!p0 $0x100000, s0;
	[bflag:$0x2] =	sbarrier.arrive $0xFFFF  }
0x56: {  	[sflag:s0] =	ssyncadd.tile.s32 @!p0 $0x1;
	_ =	shalt  }
.Lfunc_end2:
_tile_overlayer_lowered:
.L_overlay_start_2:
0x57: {  	(tag) =	ssettag $0x2  }
0x58: {  	s0 =	rddreg [dreg:$0x0];
	s2 =	stileid.u32  }
0x59: {  	s1 =	rddreg [dreg:$0x1];
	p0 =	sne.s32 s2, $0x0  }
0x5a: {  	s3 =	rddreg [dreg:$0x2];
	[bflag:$0x3] =	sbarrier.arrive $0xFFFF;
	s2 =	simm.s32 @!p0 $0x1C0A  }
0x5b: {  	[timem:s3], [sflag:s2] =	dma.local @!p0 [hbm:s0], s1  }
0x5c: {  	s0 =	simm.s32 @!p0 $0xA  }
0x5d: {  	_ =	swait.ge @!p0 [sflag:s0], s1  }
0x5e: {  	s1 =	ssub.s32 @!p0 $0x0, s1;
	[sflag:s0] =	ssyncset.done @!p0 $0x0  }
0x5f: {  	[sflag:s0] =	ssyncadd.s32 @!p0 s1  }
0x60: {  	[bflag:$0x3] =	sbarrier.arrive $0xFFFF  }
0x61: {  	_ =	shalt  }

</sc_bundles>
